<compile_context>
chip_gen: v7x
topology: tpu7x:2x2x1
jax: 0.10.2.dev20260603
libtpu: 0.0.44.dev20260713+nightly
codegen_flags: <defaults>
</compile_context>

<pallas_src>
import functools

import jax
import jax.numpy as jnp
from jax import lax
from jax.experimental import pallas as pl
from jax.experimental.pallas import tpu as pltpu
from jax.experimental.pallas import tpu_sc as plsc

N_NODES = 10000
N_PAD = 10240
D = 128
N_EDGES = 320000
NC = 2
NS = 16
EDGES_PER_TILE = N_EDGES // (NC * NS)
CHUNK = 80
NCHUNKS = EDGES_PER_TILE // CHUNK
ROWS_PER_TILE = N_PAD // NS


def _sc_agg_body(x_hbm, ei_hbm, zero_hbm, out_hbm,
                 acc_sh, is0, is1, id0, id1, rows0, rows1, gsem0, gsem1):
    c = lax.axis_index("c")
    s = lax.axis_index("s")
    r0 = s * ROWS_PER_TILE
    pltpu.sync_copy(zero_hbm.at[pl.ds(r0, ROWS_PER_TILE)],
                    acc_sh.at[pl.ds(r0, ROWS_PER_TILE)])
    plsc.subcore_barrier()

    base = (c * NS + s) * EDGES_PER_TILE
    isb = (is0, is1)
    idb = (id0, id1)
    rows = (rows0, rows1)
    gsem = (gsem0, gsem1)

    pltpu.sync_copy(ei_hbm.at[pl.ds(base, CHUNK)], is0)
    pltpu.sync_copy(ei_hbm.at[pl.ds(N_EDGES + base, CHUNK)], id0)
    pltpu.async_copy(x_hbm.at[is0], rows0, gsem0)

    def body(t, carry):
        for b in range(2):
            i = 2 * t + b
            bn = 1 - b
            off = base + (i + 1) * CHUNK
            pltpu.sync_copy(ei_hbm.at[pl.ds(off, CHUNK)], isb[bn])
            pltpu.sync_copy(ei_hbm.at[pl.ds(N_EDGES + off, CHUNK)], idb[bn])
            pltpu.async_copy(x_hbm.at[isb[bn]], rows[bn], gsem[bn])
            pltpu.make_async_copy(x_hbm.at[isb[b]], rows[b],
                                  gsem[b]).wait()
            pltpu.sync_copy(rows[b], acc_sh.at[idb[b]], add=True)
        return carry

    lax.fori_loop(0, (NCHUNKS - 1) // 2, body, 0)
    pltpu.make_async_copy(x_hbm.at[is0], rows0, gsem0).wait()
    pltpu.sync_copy(rows0, acc_sh.at[id0], add=True)
    plsc.subcore_barrier()
    pltpu.sync_copy(acc_sh.at[pl.ds(r0, ROWS_PER_TILE)],
                    out_hbm.at[c, pl.ds(r0, ROWS_PER_TILE)])


_sc_agg = functools.partial(
    pl.kernel,
    mesh=plsc.VectorSubcoreMesh(core_axis_name="c", subcore_axis_name="s"),
    out_type=jax.ShapeDtypeStruct((NC, N_PAD, D), jnp.float32),
    scratch_types=[
        pltpu.VMEM_SHARED((N_PAD, D), jnp.float32),
        pltpu.VMEM((CHUNK,), jnp.int32),
        pltpu.VMEM((CHUNK,), jnp.int32),
        pltpu.VMEM((CHUNK,), jnp.int32),
        pltpu.VMEM((CHUNK,), jnp.int32),
        pltpu.VMEM((CHUNK, D), jnp.float32),
        pltpu.VMEM((CHUNK, D), jnp.float32),
        pltpu.SemaphoreType.DMA,
        pltpu.SemaphoreType.DMA,
    ],
)(_sc_agg_body)


BLK = 1000


def _tc_linear_body(p_ref, w_ref, b_ref, o_ref):
    agg = p_ref[0] + p_ref[1]
    o_ref[...] = lax.dot_general(
        agg, w_ref[...], (((1,), (1,)), ((), ())),
        preferred_element_type=jnp.float32) + b_ref[...]


def _tc_linear(partials, W, b):
    return pl.pallas_call(
        _tc_linear_body,
        grid=(N_NODES // BLK,),
        in_specs=[
            pl.BlockSpec((NC, BLK, D), lambda i: (0, i, 0)),
            pl.BlockSpec((D, D), lambda i: (0, 0)),
            pl.BlockSpec((1, D), lambda i: (0, 0)),
        ],
        out_specs=pl.BlockSpec((BLK, D), lambda i: (i, 0)),
        out_shape=jax.ShapeDtypeStruct((N_NODES, D), jnp.float32),
    )(partials, W, b.reshape(1, D))


def kernel(x, edge_index, W, b):
    ei = edge_index.astype(jnp.int32).reshape(2 * N_EDGES)
    zero = jnp.zeros((N_PAD, D), jnp.float32)
    partials = _sc_agg(x, ei, zero)
    return _tc_linear(partials, W, b)

# --- scband reference (transcript-rebuilt; emitter-appended) ---
"""Pipeline reference for scband-gcnlayer-21277267984892 (READ-ONLY COPY).

The authoritative reference and input builder live on the scoring server;
editing this copy changes nothing except your own understanding.
"""

import jax, jax.numpy as jnp
import numpy as np

N_NODES = 10000
N_EDGES = 320000
D_IN = 128
D_OUT = 128

def setup_inputs(seed: int = 0) -> dict:
    key = jax.random.key(seed)
    k1, k2, k3, k4 = jax.random.split(key, 4)
    x = jax.random.normal(k1, (N_NODES, D_IN), dtype=jnp.float32)
    edge_index = jax.random.randint(k2, (2, N_EDGES), 0, N_NODES, dtype=jnp.int64)
    # nn.Linear(in_feats, out_feats): W [out, in], b [out]
    bound = 1.0 / np.sqrt(D_IN)
    W = jax.random.uniform(k3, (D_OUT, D_IN), dtype=jnp.float32, minval=-bound, maxval=bound)
    b = jax.random.uniform(k4, (D_OUT,), dtype=jnp.float32, minval=-bound, maxval=bound)
    return {"x": x, "edge_index": edge_index, "W": W, "b": b}

def reference(x, edge_index, W, b):
    # dgl.ops.copy_u_sum(g, x): for each edge (u -> v), message = x[u]; sum messages at dst v
    src = edge_index[0]
    dst = edge_index[1]
    msgs = jnp.take(x, src, axis=0)                     # gather [E, D_IN]
    agg = jax.ops.segment_sum(msgs, dst, num_segments=N_NODES)  # scatter-add [N, D_IN]
    out = agg @ W.T + b                                  # linear [N, D_OUT]
    return out

if __name__ == "__main__":
    import jax
    _d = setup_inputs()
    print(jax.jit(kernel)(*tuple(_d.values())))

</pallas_src>

<mosaic_0001>
#map = affine_map<(d0, d1) -> (0, 0)>
#map1 = affine_map<(d0, d1) -> (0)>
#map2 = affine_map<(d0, d1) -> (0, 0, 0)>
module attributes {stable_mosaic.version = 14 : i64} {
  func.func @_sc_agg_body(%arg0: i32, %arg1: i32, %arg2: memref<10000x128xf32, #tpu.memory_space<hbm>>, %arg3: memref<640000xi32, #tpu.memory_space<hbm>>, %arg4: memref<10240x128xf32, #tpu.memory_space<hbm>>, %arg5: memref<2x10240x128xf32, #tpu.memory_space<hbm>>, %arg6: memref<10240x128xf32, #tpu.memory_space<vmem_shared>>, %arg7: memref<80xi32, #tpu.memory_space<vmem>>, %arg8: memref<80xi32, #tpu.memory_space<vmem>>, %arg9: memref<80xi32, #tpu.memory_space<vmem>>, %arg10: memref<80xi32, #tpu.memory_space<vmem>>, %arg11: memref<80x128xf32, #tpu.memory_space<vmem>>, %arg12: memref<80x128xf32, #tpu.memory_space<vmem>>, %arg13: memref<!tpu.dma_semaphore, #tpu.memory_space<semaphore_mem>>, %arg14: memref<!tpu.dma_semaphore, #tpu.memory_space<semaphore_mem>>) attributes {dimension_semantics = [#tpu.dimension_semantics<core_parallel>, #tpu.dimension_semantics<subcore_parallel>], iteration_bounds = array<i64: 2, 16>, scalar_prefetch = 0 : i64, scratch_operands = 9 : i64, tpu.core_type = #tpu.core_type<sc_vector_subcore>, window_params = [{transform_indices = #map}, {transform_indices = #map1}, {transform_indices = #map}, {transform_indices = #map2}]} {
    %mul3A = arith.constant 640 : i32
    %mul3A_0 = arith.muli %arg1, %mul3A : i32
    "tpu.region"() ({
      %run_scoped3A = tpu.sem_alloc : memref<!tpu.dma_semaphore, #tpu.memory_space<semaphore_mem>>
      %dma_start3A_17 = arith.constant 0 : i32
      %dma_start3A_18 = tpu.memref_slice %arg6[%mul3A_0, %dma_start3A_17] : memref<10240x128xf32, #tpu.memory_space<vmem_shared>> -> memref<640x128xf32, #tpu.memory_space<vmem_shared>>
      %dma_start3A_19 = arith.constant 0 : i32
      %dma_start3A_20 = tpu.memref_slice %arg4[%mul3A_0, %dma_start3A_19] : memref<10240x128xf32, #tpu.memory_space<hbm>> -> memref<640x128xf32, #tpu.memory_space<hbm>>
      tpu.enqueue_dma source(%dma_start3A_20 : memref<640x128xf32, #tpu.memory_space<hbm>>) target(%dma_start3A_18 : memref<640x128xf32, #tpu.memory_space<vmem_shared>>) target_semaphore(%run_scoped3A : memref<!tpu.dma_semaphore, #tpu.memory_space<semaphore_mem>>)
      %dma_wait3A_21 = arith.constant 0 : i32
      %dma_wait3A_22 = tpu.memref_slice %arg6[%mul3A_0, %dma_wait3A_21] : memref<10240x128xf32, #tpu.memory_space<vmem_shared>> -> memref<640x128xf32, #tpu.memory_space<vmem_shared>>
      %dma_wait3A_23 = arith.constant 0 : i32
      %dma_wait3A_24 = tpu.memref_slice %arg4[%mul3A_0, %dma_wait3A_23] : memref<10240x128xf32, #tpu.memory_space<hbm>> -> memref<640x128xf32, #tpu.memory_space<hbm>>
      tpu.wait_dma2 semaphore(%run_scoped3A : memref<!tpu.dma_semaphore, #tpu.memory_space<semaphore_mem>>) src(%dma_wait3A_24 : memref<640x128xf32, #tpu.memory_space<hbm>>) dst(%dma_wait3A_22 : memref<640x128xf32, #tpu.memory_space<vmem_shared>>)
      tpu.yield
    }) : () -> ()
    %barrier3A = arith.constant 0 : index
    tpu.barrier barrier_id(%barrier3A)
    %mul3A_1 = arith.constant 16 : i32
    %mul3A_2 = arith.muli %arg0, %mul3A_1 : i32
    %add3A = arith.addi %mul3A_2, %arg1 : i32
    %mul3A_3 = arith.constant 10000 : i32
    %mul3A_4 = arith.muli %add3A, %mul3A_3 : i32
    "tpu.region"() ({
      %run_scoped3A = tpu.sem_alloc : memref<!tpu.dma_semaphore, #tpu.memory_space<semaphore_mem>>
      %dma_start3A_17 = tpu.memref_slice %arg3[%mul3A_4] : memref<640000xi32, #tpu.memory_space<hbm>> -> memref<80xi32, #tpu.memory_space<hbm>>
      %dma_start3A_18 = tpu.memref_slice %arg3[%mul3A_4] : memref<640000xi32, #tpu.memory_space<hbm>> -> memref<80xi32, #tpu.memory_space<hbm>>
      tpu.enqueue_dma source(%dma_start3A_18 : memref<80xi32, #tpu.memory_space<hbm>>) target(%arg7 : memref<80xi32, #tpu.memory_space<vmem>>) target_semaphore(%run_scoped3A : memref<!tpu.dma_semaphore, #tpu.memory_space<semaphore_mem>>)
      %dma_wait3A_19 = tpu.memref_slice %arg3[%mul3A_4] : memref<640000xi32, #tpu.memory_space<hbm>> -> memref<80xi32, #tpu.memory_space<hbm>>
      %dma_wait3A_20 = tpu.memref_slice %arg3[%mul3A_4] : memref<640000xi32, #tpu.memory_space<hbm>> -> memref<80xi32, #tpu.memory_space<hbm>>
      tpu.wait_dma2 semaphore(%run_scoped3A : memref<!tpu.dma_semaphore, #tpu.memory_space<semaphore_mem>>) src(%dma_wait3A_20 : memref<80xi32, #tpu.memory_space<hbm>>) dst(%arg7 : memref<80xi32, #tpu.memory_space<vmem>>)
      tpu.yield
    }) : () -> ()
    %add3A_5 = arith.constant 320000 : i32
    %add3A_6 = arith.addi %add3A_5, %mul3A_4 : i32
    "tpu.region"() ({
      %run_scoped3A = tpu.sem_alloc : memref<!tpu.dma_semaphore, #tpu.memory_space<semaphore_mem>>
      %dma_start3A_17 = tpu.memref_slice %arg3[%add3A_6] : memref<640000xi32, #tpu.memory_space<hbm>> -> memref<80xi32, #tpu.memory_space<hbm>>
      %dma_start3A_18 = tpu.memref_slice %arg3[%add3A_6] : memref<640000xi32, #tpu.memory_space<hbm>> -> memref<80xi32, #tpu.memory_space<hbm>>
      tpu.enqueue_dma source(%dma_start3A_18 : memref<80xi32, #tpu.memory_space<hbm>>) target(%arg9 : memref<80xi32, #tpu.memory_space<vmem>>) target_semaphore(%run_scoped3A : memref<!tpu.dma_semaphore, #tpu.memory_space<semaphore_mem>>)
      %dma_wait3A_19 = tpu.memref_slice %arg3[%add3A_6] : memref<640000xi32, #tpu.memory_space<hbm>> -> memref<80xi32, #tpu.memory_space<hbm>>
      %dma_wait3A_20 = tpu.memref_slice %arg3[%add3A_6] : memref<640000xi32, #tpu.memory_space<hbm>> -> memref<80xi32, #tpu.memory_space<hbm>>
      tpu.wait_dma2 semaphore(%run_scoped3A : memref<!tpu.dma_semaphore, #tpu.memory_space<semaphore_mem>>) src(%dma_wait3A_20 : memref<80xi32, #tpu.memory_space<hbm>>) dst(%arg9 : memref<80xi32, #tpu.memory_space<vmem>>)
      tpu.yield
    }) : () -> ()
    %dma_start3A = arith.constant 0 : i32
    %dma_start3A_7 = arith.constant 0 : i32
    %dma_start3A_8 = tpu.memref_slice %arg2[%dma_start3A, %dma_start3A_7] : memref<10000x128xf32, #tpu.memory_space<hbm>> -> memref<10000x128xf32, #tpu.memory_space<hbm>>
    tpu.enqueue_indirect_dma source(%dma_start3A_8 : memref<10000x128xf32, #tpu.memory_space<hbm>>) target(%arg11 : memref<80x128xf32, #tpu.memory_space<vmem>>) offsets(%arg7 : memref<80xi32, #tpu.memory_space<vmem>>) semaphore(%arg13 : memref<!tpu.dma_semaphore, #tpu.memory_space<semaphore_mem>>)
    %scan3A = arith.constant 0 : i32
    %scan3A_9 = arith.constant 0 : i32
    %scan3A_10 = arith.constant 62 : i32
    %scan3A_11 = arith.addi %scan3A_9, %scan3A_10 : i32
    %scan3A_12 = arith.constant 1 : i32
    scf.for %scan3A_17 = %scan3A_9 to %scan3A_11 step %scan3A_12  : i32 {
      %mul3A_18 = arith.constant 2 : i32
      %mul3A_19 = arith.muli %mul3A_18, %scan3A_17 : i32
      %add3A_20 = arith.constant 0 : i32
      %add3A_21 = arith.addi %mul3A_19, %add3A_20 : i32
      %add3A_22 = arith.constant 1 : i32
      %add3A_23 = arith.addi %add3A_21, %add3A_22 : i32
      %mul3A_24 = arith.constant 80 : i32
      %mul3A_25 = arith.muli %add3A_23, %mul3A_24 : i32
      %add3A_26 = arith.addi %mul3A_4, %mul3A_25 : i32
      "tpu.region"() ({
        %run_scoped3A = tpu.sem_alloc : memref<!tpu.dma_semaphore, #tpu.memory_space<semaphore_mem>>
        %dma_start3A_52 = tpu.memref_slice %arg3[%add3A_26] : memref<640000xi32, #tpu.memory_space<hbm>> -> memref<80xi32, #tpu.memory_space<hbm>>
        %dma_start3A_53 = tpu.memref_slice %arg3[%add3A_26] : memref<640000xi32, #tpu.memory_space<hbm>> -> memref<80xi32, #tpu.memory_space<hbm>>
        tpu.enqueue_dma source(%dma_start3A_53 : memref<80xi32, #tpu.memory_space<hbm>>) target(%arg8 : memref<80xi32, #tpu.memory_space<vmem>>) target_semaphore(%run_scoped3A : memref<!tpu.dma_semaphore, #tpu.memory_space<semaphore_mem>>)
        %dma_wait3A_54 = tpu.memref_slice %arg3[%add3A_26] : memref<640000xi32, #tpu.memory_space<hbm>> -> memref<80xi32, #tpu.memory_space<hbm>>
        %dma_wait3A_55 = tpu.memref_slice %arg3[%add3A_26] : memref<640000xi32, #tpu.memory_space<hbm>> -> memref<80xi32, #tpu.memory_space<hbm>>
        tpu.wait_dma2 semaphore(%run_scoped3A : memref<!tpu.dma_semaphore, #tpu.memory_space<semaphore_mem>>) src(%dma_wait3A_55 : memref<80xi32, #tpu.memory_space<hbm>>) dst(%arg8 : memref<80xi32, #tpu.memory_space<vmem>>)
        tpu.yield
      }) : () -> ()
      %add3A_27 = arith.constant 320000 : i32
      %add3A_28 = arith.addi %add3A_27, %add3A_26 : i32
      "tpu.region"() ({
        %run_scoped3A = tpu.sem_alloc : memref<!tpu.dma_semaphore, #tpu.memory_space<semaphore_mem>>
        %dma_start3A_52 = tpu.memref_slice %arg3[%add3A_28] : memref<640000xi32, #tpu.memory_space<hbm>> -> memref<80xi32, #tpu.memory_space<hbm>>
        %dma_start3A_53 = tpu.memref_slice %arg3[%add3A_28] : memref<640000xi32, #tpu.memory_space<hbm>> -> memref<80xi32, #tpu.memory_space<hbm>>
        tpu.enqueue_dma source(%dma_start3A_53 : memref<80xi32, #tpu.memory_space<hbm>>) target(%arg10 : memref<80xi32, #tpu.memory_space<vmem>>) target_semaphore(%run_scoped3A : memref<!tpu.dma_semaphore, #tpu.memory_space<semaphore_mem>>)
        %dma_wait3A_54 = tpu.memref_slice %arg3[%add3A_28] : memref<640000xi32, #tpu.memory_space<hbm>> -> memref<80xi32, #tpu.memory_space<hbm>>
        %dma_wait3A_55 = tpu.memref_slice %arg3[%add3A_28] : memref<640000xi32, #tpu.memory_space<hbm>> -> memref<80xi32, #tpu.memory_space<hbm>>
        tpu.wait_dma2 semaphore(%run_scoped3A : memref<!tpu.dma_semaphore, #tpu.memory_space<semaphore_mem>>) src(%dma_wait3A_55 : memref<80xi32, #tpu.memory_space<hbm>>) dst(%arg10 : memref<80xi32, #tpu.memory_space<vmem>>)
        tpu.yield
      }) : () -> ()
      %dma_start3A_29 = arith.constant 0 : i32
      %dma_start3A_30 = arith.constant 0 : i32
      %dma_start3A_31 = tpu.memref_slice %arg2[%dma_start3A_29, %dma_start3A_30] : memref<10000x128xf32, #tpu.memory_space<hbm>> -> memref<10000x128xf32, #tpu.memory_space<hbm>>
      tpu.enqueue_indirect_dma source(%dma_start3A_31 : memref<10000x128xf32, #tpu.memory_space<hbm>>) target(%arg12 : memref<80x128xf32, #tpu.memory_space<vmem>>) offsets(%arg8 : memref<80xi32, #tpu.memory_space<vmem>>) semaphore(%arg14 : memref<!tpu.dma_semaphore, #tpu.memory_space<semaphore_mem>>)
      %dma_wait3A_32 = arith.constant 0 : i32
      %dma_wait3A_33 = arith.constant 0 : i32
      %dma_wait3A_34 = tpu.memref_slice %arg2[%dma_wait3A_32, %dma_wait3A_33] : memref<10000x128xf32, #tpu.memory_space<hbm>> -> memref<10000x128xf32, #tpu.memory_space<hbm>>
      tpu.wait_indirect_dma semaphore(%arg13 : memref<!tpu.dma_semaphore, #tpu.memory_space<semaphore_mem>>) src(%dma_wait3A_34 : memref<10000x128xf32, #tpu.memory_space<hbm>>) dst(%arg11 : memref<80x128xf32, #tpu.memory_space<vmem>>)
      "tpu.region"() ({
        %run_scoped3A = tpu.sem_alloc : memref<!tpu.dma_semaphore, #tpu.memory_space<semaphore_mem>>
        %dma_start3A_52 = arith.constant 0 : i32
        %dma_start3A_53 = arith.constant 0 : i32
        %dma_start3A_54 = tpu.memref_slice %arg6[%dma_start3A_52, %dma_start3A_53] : memref<10240x128xf32, #tpu.memory_space<vmem_shared>> -> memref<10240x128xf32, #tpu.memory_space<vmem_shared>>
        tpu.enqueue_indirect_dma source(%arg11 : memref<80x128xf32, #tpu.memory_space<vmem>>) target(%dma_start3A_54 : memref<10240x128xf32, #tpu.memory_space<vmem_shared>>) offsets(%arg9 : memref<80xi32, #tpu.memory_space<vmem>>) semaphore(%run_scoped3A : memref<!tpu.dma_semaphore, #tpu.memory_space<semaphore_mem>>) {add = true}
        %dma_wait3A_55 = arith.constant 0 : i32
        %dma_wait3A_56 = arith.constant 0 : i32
        %dma_wait3A_57 = tpu.memref_slice %arg6[%dma_wait3A_55, %dma_wait3A_56] : memref<10240x128xf32, #tpu.memory_space<vmem_shared>> -> memref<10240x128xf32, #tpu.memory_space<vmem_shared>>
        tpu.wait_indirect_dma semaphore(%run_scoped3A : memref<!tpu.dma_semaphore, #tpu.memory_space<semaphore_mem>>) src(%arg11 : memref<80x128xf32, #tpu.memory_space<vmem>>) dst(%dma_wait3A_57 : memref<10240x128xf32, #tpu.memory_space<vmem_shared>>)
        tpu.yield
      }) : () -> ()
      %mul3A_35 = arith.constant 2 : i32
      %mul3A_36 = arith.muli %mul3A_35, %scan3A_17 : i32
      %add3A_37 = arith.constant 1 : i32
      %add3A_38 = arith.addi %mul3A_36, %add3A_37 : i32
      %add3A_39 = arith.constant 1 : i32
      %add3A_40 = arith.addi %add3A_38, %add3A_39 : i32
      %mul3A_41 = arith.constant 80 : i32
      %mul3A_42 = arith.muli %add3A_40, %mul3A_41 : i32
      %add3A_43 = arith.addi %mul3A_4, %mul3A_42 : i32
      "tpu.region"() ({
        %run_scoped3A = tpu.sem_alloc : memref<!tpu.dma_semaphore, #tpu.memory_space<semaphore_mem>>
        %dma_start3A_52 = tpu.memref_slice %arg3[%add3A_43] : memref<640000xi32, #tpu.memory_space<hbm>> -> memref<80xi32, #tpu.memory_space<hbm>>
        %dma_start3A_53 = tpu.memref_slice %arg3[%add3A_43] : memref<640000xi32, #tpu.memory_space<hbm>> -> memref<80xi32, #tpu.memory_space<hbm>>
        tpu.enqueue_dma source(%dma_start3A_53 : memref<80xi32, #tpu.memory_space<hbm>>) target(%arg7 : memref<80xi32, #tpu.memory_space<vmem>>) target_semaphore(%run_scoped3A : memref<!tpu.dma_semaphore, #tpu.memory_space<semaphore_mem>>)
        %dma_wait3A_54 = tpu.memref_slice %arg3[%add3A_43] : memref<640000xi32, #tpu.memory_space<hbm>> -> memref<80xi32, #tpu.memory_space<hbm>>
        %dma_wait3A_55 = tpu.memref_slice %arg3[%add3A_43] : memref<640000xi32, #tpu.memory_space<hbm>> -> memref<80xi32, #tpu.memory_space<hbm>>
        tpu.wait_dma2 semaphore(%run_scoped3A : memref<!tpu.dma_semaphore, #tpu.memory_space<semaphore_mem>>) src(%dma_wait3A_55 : memref<80xi32, #tpu.memory_space<hbm>>) dst(%arg7 : memref<80xi32, #tpu.memory_space<vmem>>)
        tpu.yield
      }) : () -> ()
      %add3A_44 = arith.constant 320000 : i32
      %add3A_45 = arith.addi %add3A_44, %add3A_43 : i32
      "tpu.region"() ({
        %run_scoped3A = tpu.sem_alloc : memref<!tpu.dma_semaphore, #tpu.memory_space<semaphore_mem>>
        %dma_start3A_52 = tpu.memref_slice %arg3[%add3A_45] : memref<640000xi32, #tpu.memory_space<hbm>> -> memref<80xi32, #tpu.memory_space<hbm>>
        %dma_start3A_53 = tpu.memref_slice %arg3[%add3A_45] : memref<640000xi32, #tpu.memory_space<hbm>> -> memref<80xi32, #tpu.memory_space<hbm>>
        tpu.enqueue_dma source(%dma_start3A_53 : memref<80xi32, #tpu.memory_space<hbm>>) target(%arg9 : memref<80xi32, #tpu.memory_space<vmem>>) target_semaphore(%run_scoped3A : memref<!tpu.dma_semaphore, #tpu.memory_space<semaphore_mem>>)
        %dma_wait3A_54 = tpu.memref_slice %arg3[%add3A_45] : memref<640000xi32, #tpu.memory_space<hbm>> -> memref<80xi32, #tpu.memory_space<hbm>>
        %dma_wait3A_55 = tpu.memref_slice %arg3[%add3A_45] : memref<640000xi32, #tpu.memory_space<hbm>> -> memref<80xi32, #tpu.memory_space<hbm>>
        tpu.wait_dma2 semaphore(%run_scoped3A : memref<!tpu.dma_semaphore, #tpu.memory_space<semaphore_mem>>) src(%dma_wait3A_55 : memref<80xi32, #tpu.memory_space<hbm>>) dst(%arg9 : memref<80xi32, #tpu.memory_space<vmem>>)
        tpu.yield
      }) : () -> ()
      %dma_start3A_46 = arith.constant 0 : i32
      %dma_start3A_47 = arith.constant 0 : i32
      %dma_start3A_48 = tpu.memref_slice %arg2[%dma_start3A_46, %dma_start3A_47] : memref<10000x128xf32, #tpu.memory_space<hbm>> -> memref<10000x128xf32, #tpu.memory_space<hbm>>
      tpu.enqueue_indirect_dma source(%dma_start3A_48 : memref<10000x128xf32, #tpu.memory_space<hbm>>) target(%arg11 : memref<80x128xf32, #tpu.memory_space<vmem>>) offsets(%arg7 : memref<80xi32, #tpu.memory_space<vmem>>) semaphore(%arg13 : memref<!tpu.dma_semaphore, #tpu.memory_space<semaphore_mem>>)
      %dma_wait3A_49 = arith.constant 0 : i32
      %dma_wait3A_50 = arith.constant 0 : i32
      %dma_wait3A_51 = tpu.memref_slice %arg2[%dma_wait3A_49, %dma_wait3A_50] : memref<10000x128xf32, #tpu.memory_space<hbm>> -> memref<10000x128xf32, #tpu.memory_space<hbm>>
      tpu.wait_indirect_dma semaphore(%arg14 : memref<!tpu.dma_semaphore, #tpu.memory_space<semaphore_mem>>) src(%dma_wait3A_51 : memref<10000x128xf32, #tpu.memory_space<hbm>>) dst(%arg12 : memref<80x128xf32, #tpu.memory_space<vmem>>)
      "tpu.region"() ({
        %run_scoped3A = tpu.sem_alloc : memref<!tpu.dma_semaphore, #tpu.memory_space<semaphore_mem>>
        %dma_start3A_52 = arith.constant 0 : i32
        %dma_start3A_53 = arith.constant 0 : i32
        %dma_start3A_54 = tpu.memref_slice %arg6[%dma_start3A_52, %dma_start3A_53] : memref<10240x128xf32, #tpu.memory_space<vmem_shared>> -> memref<10240x128xf32, #tpu.memory_space<vmem_shared>>
        tpu.enqueue_indirect_dma source(%arg12 : memref<80x128xf32, #tpu.memory_space<vmem>>) target(%dma_start3A_54 : memref<10240x128xf32, #tpu.memory_space<vmem_shared>>) offsets(%arg10 : memref<80xi32, #tpu.memory_space<vmem>>) semaphore(%run_scoped3A : memref<!tpu.dma_semaphore, #tpu.memory_space<semaphore_mem>>) {add = true}
        %dma_wait3A_55 = arith.constant 0 : i32
        %dma_wait3A_56 = arith.constant 0 : i32
        %dma_wait3A_57 = tpu.memref_slice %arg6[%dma_wait3A_55, %dma_wait3A_56] : memref<10240x128xf32, #tpu.memory_space<vmem_shared>> -> memref<10240x128xf32, #tpu.memory_space<vmem_shared>>
        tpu.wait_indirect_dma semaphore(%run_scoped3A : memref<!tpu.dma_semaphore, #tpu.memory_space<semaphore_mem>>) src(%arg12 : memref<80x128xf32, #tpu.memory_space<vmem>>) dst(%dma_wait3A_57 : memref<10240x128xf32, #tpu.memory_space<vmem_shared>>)
        tpu.yield
      }) : () -> ()
    }
    %scan3A_13 = arith.constant 62 : i32
    %dma_wait3A = arith.constant 0 : i32
    %dma_wait3A_14 = arith.constant 0 : i32
    %dma_wait3A_15 = tpu.memref_slice %arg2[%dma_wait3A, %dma_wait3A_14] : memref<10000x128xf32, #tpu.memory_space<hbm>> -> memref<10000x128xf32, #tpu.memory_space<hbm>>
    tpu.wait_indirect_dma semaphore(%arg13 : memref<!tpu.dma_semaphore, #tpu.memory_space<semaphore_mem>>) src(%dma_wait3A_15 : memref<10000x128xf32, #tpu.memory_space<hbm>>) dst(%arg11 : memref<80x128xf32, #tpu.memory_space<vmem>>)
    "tpu.region"() ({
      %run_scoped3A = tpu.sem_alloc : memref<!tpu.dma_semaphore, #tpu.memory_space<semaphore_mem>>
      %dma_start3A_17 = arith.constant 0 : i32
      %dma_start3A_18 = arith.constant 0 : i32
      %dma_start3A_19 = tpu.memref_slice %arg6[%dma_start3A_17, %dma_start3A_18] : memref<10240x128xf32, #tpu.memory_space<vmem_shared>> -> memref<10240x128xf32, #tpu.memory_space<vmem_shared>>
      tpu.enqueue_indirect_dma source(%arg11 : memref<80x128xf32, #tpu.memory_space<vmem>>) target(%dma_start3A_19 : memref<10240x128xf32, #tpu.memory_space<vmem_shared>>) offsets(%arg9 : memref<80xi32, #tpu.memory_space<vmem>>) semaphore(%run_scoped3A : memref<!tpu.dma_semaphore, #tpu.memory_space<semaphore_mem>>) {add = true}
      %dma_wait3A_20 = arith.constant 0 : i32
      %dma_wait3A_21 = arith.constant 0 : i32
      %dma_wait3A_22 = tpu.memref_slice %arg6[%dma_wait3A_20, %dma_wait3A_21] : memref<10240x128xf32, #tpu.memory_space<vmem_shared>> -> memref<10240x128xf32, #tpu.memory_space<vmem_shared>>
      tpu.wait_indirect_dma semaphore(%run_scoped3A : memref<!tpu.dma_semaphore, #tpu.memory_space<semaphore_mem>>) src(%arg11 : memref<80x128xf32, #tpu.memory_space<vmem>>) dst(%dma_wait3A_22 : memref<10240x128xf32, #tpu.memory_space<vmem_shared>>)
      tpu.yield
    }) : () -> ()
    %barrier3A_16 = arith.constant 0 : index
    tpu.barrier barrier_id(%barrier3A_16)
    "tpu.region"() ({
      %run_scoped3A = tpu.sem_alloc : memref<!tpu.dma_semaphore, #tpu.memory_space<semaphore_mem>>
      %dma_start3A_17 = arith.constant 0 : i32
      %dma_start3A_18 = tpu.memref_slice %arg5[%arg0, %mul3A_0, %dma_start3A_17] : memref<2x10240x128xf32, #tpu.memory_space<hbm>> -> memref<1x640x128xf32, #tpu.memory_space<hbm>>
      %dma_start3A_19 = tpu.memref_squeeze %dma_start3A_18 : memref<1x640x128xf32, #tpu.memory_space<hbm>> -> memref<640x128xf32, #tpu.memory_space<hbm>>
      %dma_start3A_20 = arith.constant 0 : i32
      %dma_start3A_21 = tpu.memref_slice %arg6[%mul3A_0, %dma_start3A_20] : memref<10240x128xf32, #tpu.memory_space<vmem_shared>> -> memref<640x128xf32, #tpu.memory_space<vmem_shared>>
      tpu.enqueue_dma source(%dma_start3A_21 : memref<640x128xf32, #tpu.memory_space<vmem_shared>>) target(%dma_start3A_19 : memref<640x128xf32, #tpu.memory_space<hbm>>) target_semaphore(%run_scoped3A : memref<!tpu.dma_semaphore, #tpu.memory_space<semaphore_mem>>)
      %dma_wait3A_22 = arith.constant 0 : i32
      %dma_wait3A_23 = tpu.memref_slice %arg5[%arg0, %mul3A_0, %dma_wait3A_22] : memref<2x10240x128xf32, #tpu.memory_space<hbm>> -> memref<1x640x128xf32, #tpu.memory_space<hbm>>
      %dma_wait3A_24 = tpu.memref_squeeze %dma_wait3A_23 : memref<1x640x128xf32, #tpu.memory_space<hbm>> -> memref<640x128xf32, #tpu.memory_space<hbm>>
      %dma_wait3A_25 = arith.constant 0 : i32
      %dma_wait3A_26 = tpu.memref_slice %arg6[%mul3A_0, %dma_wait3A_25] : memref<10240x128xf32, #tpu.memory_space<vmem_shared>> -> memref<640x128xf32, #tpu.memory_space<vmem_shared>>
      tpu.wait_dma2 semaphore(%run_scoped3A : memref<!tpu.dma_semaphore, #tpu.memory_space<semaphore_mem>>) src(%dma_wait3A_26 : memref<640x128xf32, #tpu.memory_space<vmem_shared>>) dst(%dma_wait3A_24 : memref<640x128xf32, #tpu.memory_space<hbm>>)
      tpu.yield
    }) : () -> ()
    return
  }
}

module attributes {stable_mosaic.version = 14 : i64} {
  func.func @_tc_linear_body(%arg0: i32, %arg1: memref<2x1000x128xf32, #tpu.memory_space<vmem>>, %arg2: memref<128x128xf32, #tpu.memory_space<vmem>>, %arg3: memref<1x128xf32, #tpu.memory_space<vmem>>, %arg4: memref<1000x128xf32, #tpu.memory_space<vmem>>) attributes {dimension_semantics = [#tpu.dimension_semantics<arbitrary>], iteration_bounds = array<i64: 10>, scalar_prefetch = 0 : i64, scratch_operands = 0 : i64, tpu.core_type = #tpu.core_type<tc>, window_params = [{transform_indices = @transform_0, window_bounds = array<i64: 2, 1000, 128>}, {pipeline_mode = #tpu.pipeline_mode<synchronous>, transform_indices = @transform_1, window_bounds = array<i64: 128, 128>}, {pipeline_mode = #tpu.pipeline_mode<synchronous>, transform_indices = @transform_2, window_bounds = array<i64: 1, 128>}, {transform_indices = @transform_3, window_bounds = array<i64: 1000, 128>}]} {
    %get3A = arith.constant 0 : index
    %get3A_0 = arith.constant 0 : index
    %get3A_1 = arith.constant 0 : index
    %get3A_2 = vector.load %arg1[%get3A, %get3A_0, %get3A_1] : memref<2x1000x128xf32, #tpu.memory_space<vmem>>, vector<1x1000x128xf32>
    %get3A_3 = vector.shape_cast %get3A_2 : vector<1x1000x128xf32> to vector<1000x128xf32>
    %get3A_4 = arith.constant 1 : index
    %get3A_5 = arith.constant 0 : index
    %get3A_6 = arith.constant 0 : index
    %get3A_7 = vector.load %arg1[%get3A_4, %get3A_5, %get3A_6] : memref<2x1000x128xf32, #tpu.memory_space<vmem>>, vector<1x1000x128xf32>
    %get3A_8 = vector.shape_cast %get3A_7 : vector<1x1000x128xf32> to vector<1000x128xf32>
    %add3A = arith.addf %get3A_3, %get3A_8 : vector<1000x128xf32>
    %get3A_9 = arith.constant 0 : index
    %get3A_10 = arith.constant 0 : index
    %get3A_11 = vector.load %arg2[%get3A_9, %get3A_10] : memref<128x128xf32, #tpu.memory_space<vmem>>, vector<128x128xf32>
    %dot_general3A = arith.constant dense<0.000000e+00> : vector<1000x128xf32>
    %dot_general3A_12 = tpu.matmul %add3A, %get3A_11, %dot_general3A {dimension_numbers = #tpu.dot_dimension_numbers<[1], [1], [0], [0], [0, 0, 1, 0], [], []>, transpose_lhs_hint = false} : vector<1000x128xf32>, vector<128x128xf32>, vector<1000x128xf32> -> vector<1000x128xf32>
    %get3A_13 = arith.constant 0 : index
    %get3A_14 = arith.constant 0 : index
    %get3A_15 = vector.load %arg3[%get3A_13, %get3A_14] : memref<1x128xf32, #tpu.memory_space<vmem>>, vector<1x128xf32>
    %add3A_16 = vector.broadcast %get3A_15 : vector<1x128xf32> to vector<1000x128xf32>
    %add3A_17 = arith.addf %dot_general3A_12, %add3A_16 : vector<1000x128xf32>
    %swap3A = arith.constant 0 : index
    %swap3A_18 = arith.constant 0 : index
    %swap3A_19 = vector.load %arg4[%swap3A, %swap3A_18] : memref<1000x128xf32, #tpu.memory_space<vmem>>, vector<1000x128xf32>
    tpu.vector_store %arg4[%swap3A, %swap3A_18], %add3A_17 {strides = array<i32>} : memref<1000x128xf32, #tpu.memory_space<vmem>>, vector<1000x128xf32>,
    return
  }
  func.func @transform_0(%arg0: i32) -> (i32, i32, i32) {
    %c0_i32 = arith.constant 0 : i32
    %c0_i32_0 = arith.constant 0 : i32
    %c0_i32_1 = arith.constant 0 : i32
    return %c0_i32, %arg0, %c0_i32_0 : i32, i32, i32
  }
  func.func @transform_1(%arg0: i32) -> (i32, i32) {
    %c0_i32 = arith.constant 0 : i32
    %c0_i32_0 = arith.constant 0 : i32
    %c0_i32_1 = arith.constant 0 : i32
    return %c0_i32, %c0_i32_0 : i32, i32
  }
  func.func @transform_2(%arg0: i32) -> (i32, i32) {
    %c0_i32 = arith.constant 0 : i32
    %c0_i32_0 = arith.constant 0 : i32
    %c0_i32_1 = arith.constant 0 : i32
    return %c0_i32, %c0_i32_0 : i32, i32
  }
  func.func @transform_3(%arg0: i32) -> (i32, i32) {
    %c0_i32 = arith.constant 0 : i32
    %c0_i32_0 = arith.constant 0 : i32
    return %arg0, %c0_i32 : i32, i32
  }
}

</mosaic_0001>

<sc_bundles>
// kernel: kernel.4.cloned.1.call-start
scs
__scs_entry_jumppad:
0x0: {  	(pc) =	sbr.rel $0x88, $3  }
0x1: {  	(tag) =	ssettag $0x0;
	lr =	simm.s32 $0x1  }
0x2: {  	[smem:$0x3F9D] =	sst lr;
	_ =	strace $0xD0000000  }
0x3: {  	_ = 	snop  }
0x4: {  	_ = 	snop  }
0x5: {  	_ = 	snop  }
0x6: {  	_ = 	snop  }
0x7: {  	_ = 	snop  }
__scs_overlays_trampoline_lowered:
0x8: {  	[smem:$0x3FAC] =	sst s0  }
0x9: {  	[smem:$0x3FAD] =	sst s1  }
0xa: {  	[smem:$0x3FAE] =	sst s2  }
0xb: {  	[smem:$0x3FAF] =	sst s3  }
0xc: {  	[smem:$0x3FB0] =	sst s4  }
0xd: {  	[smem:$0x3FB1] =	sst s5  }
0xe: {  	[smem:$0x3FB2] =	sst s6  }
0xf: {  	[smem:$0x3FB3] =	sst s7  }
0x10: {  	[smem:$0x3FB4] =	sst s8  }
0x11: {  	[smem:$0x3FB5] =	sst s9;
	s0 =	simm.s32 @!p0 $0x0  }
0x12: {  	s1 =	sld [smem:$0x3F9B];
	s0 =	simm.s32 @p0 $0x1  }
0x13: {  	[smem:$0x3FB6] =	sst s0;
	s0 =	simm.s32 @!p1 $0x0  }
0x14: {  	s2 =	sld [smem:$0x3F9A];
	s0 =	simm.s32 @p1 $0x1  }
0x15: {  	[smem:$0x3FB7] =	sst s0;
	s0 =	simm.s32 @!p2 $0x0  }
0x16: {  	s3 =	sld [smem:$0x3FDB];
	s0 =	simm.s32 @p2 $0x1  }
0x17: {  	s4 =	simm.s32 $0x1BF5;
	[smem:$0x3FB9] =	sst s0  }
0x18: {  	s0 =	sld [smem:$0x3F9C];
	_ =	swait.ge [sflag:s4], $0x0  }
0x19: {  	s7 =	sld [smem:$0x3F9D]  }
0x1a: {  	s8 =	sadd.s32 $0xFFFFE003, lr  }
0x1b: {  	s9 =	sadd.s32 $0xFFFFFEF7, lr;
	s5 =	simm.s32 $0xFFFFFFFF;
	p2 =	slt.u32 s8, $0xFFFFF086  }
0x1c: {  	p1 =	slt.u32 s9, $0xF7A;
	s5 =	simm.s32 @!p2 $0x0  }
0x1d: {  	s5 =	simm.s32 @p1 $0x1;
	p0 =	seq.s32 s7, s2  }
0x1e: {  	s7 =	smul.u32 @!p0 $0xF7A, s2;
	p2 =	seq.s32 @!p0 s5, $0x0  }
0x1f: {  	s9 =	smul.u32 $0xF7A, s1;
	s8 =	simm.s32 @!p0 $0x1BF5;
	p2 =	por !p2, p0  }
0x20: {  	[sflag:s8] =	ssyncset.s32 @!p0 $0xFFFFF086;
	s6 =	sadd.s32 @!p0 s3, s7;
	s7 =	simm.s32 @!p0 $0x108  }
0x21: {  	s3 =	sadd.s32 s3, s9;
	s6 =	sadd.s32 @!p0 $0x88, s6;
	s7 =	simm.s32 @p2 $0x1082  }
0x22: {  	[simem:s7], [sflag:s8] =	dma.local @!p0 [hbm:s6], $0xF7A  }
0x23: {  	s9 =	sor.u32 $0xD0000000, s2;
	s6 =	simm.s32 $0x108;
	_ =	swait.ge @!p0 [sflag:s8], $0x0  }
0x24: {  	s3 =	sadd.s32 $0x88, s3;
	s6 =	simm.s32 @!p1 $0x1082;
	[sflag:s4] =	ssyncset.s32 $0xFFFFF086  }
0x25: {  	[simem:s6], [sflag:s4] =	dma.local [hbm:s3], $0xF7A  }
0x26: {  	[smem:$0x3F9D] =	sst s1;
	(tag) =	ssettag s2;
	_ =	strace s9  }
0x27: {  	s1 =	sld [smem:$0x3FAD]  }
0x28: {  	s2 =	sld [smem:$0x3FAE]  }
0x29: {  	s4 =	sld [smem:$0x3FB0]  }
0x2a: {  	p0 =	seq.s32 s5, $0x0;
	s5 =	sld [smem:$0x3FB1]  }
0x2b: {  	s6 =	sld [smem:$0x3FB2]  }
0x2c: {  	s7 =	sld [smem:$0x3FB3]  }
0x2d: {  	s3 =	simm.s32 $0x108;
	s8 =	sld [smem:$0x3FB4]  }
0x2e: {  	s3 =	simm.s32 @!p0 $0x1082;
	s9 =	sld [smem:$0x3FB5]  }
0x2f: {  	lr =	sadd.s32 s0, s3;
	s0 =	sld [smem:$0x3FAC]  }
0x30: {  	s3 =	sld [smem:$0x3FAF]  }
0x31: {  	[smem:$0x3FB8] =	sst s10  }
0x32: {  	s10 =	sld [smem:$0x3FB6];
	_ =	sdelay $0x3  }
0x33: {  	p0 =	seq.s32 s10, $0x1;
	s10 =	sld [smem:$0x3FB8];
	_ =	sdelay $0x3  }
0x34: {  	[smem:$0x3FB8] =	sst s10  }
0x35: {  	s10 =	sld [smem:$0x3FB7];
	_ =	sdelay $0x3  }
0x36: {  	p1 =	seq.s32 s10, $0x1;
	s10 =	sld [smem:$0x3FB8];
	_ =	sdelay $0x3  }
0x37: {  	[smem:$0x3FB8] =	sst s10  }
0x38: {  	s10 =	sld [smem:$0x3FB9]  }
0x39: {  	_ = 	snop;
	(pc) =	sbr.ind lr, $3  }
0x3a: {  	_ = 	snop  }
0x3b: {  	_ = 	snop  }
0x3c: {  	p2 =	seq.s32 s10, $0x1;
	s10 =	sld [smem:$0x3FB8]  }
0x3d: {  	_ =	shalt  }
0x3e: {  	_ =	shalt  }
0x3f: {  	_ =	shalt  }
0x40: {  	_ =	shalt  }
0x41: {  	_ =	shalt  }
0x42: {  	_ =	shalt  }
0x43: {  	_ =	shalt  }
0x44: {  	_ =	shalt  }
0x45: {  	_ =	shalt  }
0x46: {  	_ =	shalt  }
0x47: {  	_ =	shalt  }
0x48: {  	_ =	shalt  }
0x49: {  	_ =	shalt  }
0x4a: {  	_ =	shalt  }
0x4b: {  	_ =	shalt  }
0x4c: {  	_ =	shalt  }
0x4d: {  	_ =	shalt  }
0x4e: {  	_ =	shalt  }
0x4f: {  	_ =	shalt  }
0x50: {  	_ =	shalt  }
0x51: {  	_ =	shalt  }
0x52: {  	_ =	shalt  }
0x53: {  	_ =	shalt  }
0x54: {  	_ =	shalt  }
0x55: {  	_ =	shalt  }
0x56: {  	_ =	shalt  }
0x57: {  	_ =	shalt  }
0x58: {  	_ =	shalt  }
0x59: {  	_ =	shalt  }
0x5a: {  	_ =	shalt  }
0x5b: {  	_ =	shalt  }
0x5c: {  	_ =	shalt  }
0x5d: {  	_ =	shalt  }
0x5e: {  	_ =	shalt  }
0x5f: {  	_ =	shalt  }
0x60: {  	_ =	shalt  }
0x61: {  	_ =	shalt  }
0x62: {  	_ =	shalt  }
0x63: {  	_ =	shalt  }
0x64: {  	_ =	shalt  }
0x65: {  	_ =	shalt  }
0x66: {  	_ =	shalt  }
0x67: {  	_ =	shalt  }
0x68: {  	_ =	shalt  }
0x69: {  	_ =	shalt  }
0x6a: {  	_ =	shalt  }
0x6b: {  	_ =	shalt  }
0x6c: {  	_ =	shalt  }
0x6d: {  	_ =	shalt  }
0x6e: {  	_ =	shalt  }
0x6f: {  	_ =	shalt  }
0x70: {  	_ =	shalt  }
0x71: {  	_ =	shalt  }
0x72: {  	_ =	shalt  }
0x73: {  	_ =	shalt  }
0x74: {  	_ =	shalt  }
0x75: {  	_ =	shalt  }
0x76: {  	_ =	shalt  }
0x77: {  	_ =	shalt  }
0x78: {  	_ =	shalt  }
0x79: {  	_ =	shalt  }
0x7a: {  	_ =	shalt  }
0x7b: {  	_ =	shalt  }
0x7c: {  	_ =	shalt  }
0x7d: {  	_ =	shalt  }
0x7e: {  	_ =	shalt  }
0x7f: {  	_ =	shalt  }
0x80: {  	_ =	shalt  }
0x81: {  	_ =	shalt  }
0x82: {  	_ =	shalt  }
0x83: {  	_ =	shalt  }
0x84: {  	_ =	shalt  }
0x85: {  	_ =	shalt  }
0x86: {  	_ =	shalt  }
0x87: {  	_ =	shalt  }
.Lfunc_end0:
.L_simem_size_0:
called_computation_lowered:
.L_overlay_start_0:
0x88: {  	s2 =	sld [smem:$0x3FD9]  }
0x89: {  	s3 =	sld [smem:$0x3FFE];
	_ =	sdelay $0x1  }
0x8a: {  	s1 =	srdreg.scid  }
0x8b: {  	s0 =	sand.u32 $0x1, s1  }
0x8c: {  	s17 =	sshll.u32 s0, $0xA;
	s2 =	sadd.s32 s3, s2  }
0x8d: {  	s2 =	sadd.s32 s2, s17  }
0x8e: {  	[smem:$0x3FC4] =	sst s2  }
0x8f: {  	_ = 	snop  }
0x90: {  	s2 =	sld [smem:$0x3FC9]  }
0x91: {  	s18 =	sld [smem:$0x3FD0];
	(tm) =	ssettm $0x1  }
0x92: {  	s4 =	sld [smem:$0x3FFB];
	_ =	sdelay $0x3  }
0x93: {  	_ =	strace s4  }
0x94: {  	s4 =	sld [smem:$0x3FFC];
	_ =	sdelay $0x3  }
0x95: {  	_ =	strace s4  }
0x96: {  	s4 =	sld [smem:$0x3FFD];
	_ =	sdelay $0x3  }
0x97: {  	_ =	strace s4  }
0x98: {  	_ =	strace $0x8FFFFFFF  }
0x99: {  	s19 =	sld [smem:$0x3FDB];
	_ =	sdelay $0x1  }
0x9a: {  	s5 =	simm.s32 $_scs_section_size  }
0x9b: {  	s6 =	simm.s32 $_size__tile_overlayer_lowered;
	s7 =	simm.s32 $_tile_overlayer_lowered  }
0x9c: {  	s22 =	simm.s32 $0x1BFF;
	s21 =	sshll.u32 s7, $0x1;
	s4 =	sadd.s32 s5, s19  }
0x9d: {  	s8 =	simm.s32 $0x0;
	s20 =	sshll.u32 s6, $0x1;
	s6 =	sadd.s32 s21, s4  }
0x9e: {  	[timem:s8], [sflag:s22] =	dma.local [hbm:s6], s20  }
0x9f: {  	_ =	swait.ge [sflag:s22], s20  }
0xa0: {  	s5 =	ssub.s32 $0x0, s20;
	[sflag:s22] =	ssyncset.done $0x0  }
0xa1: {  	[sflag:s22] =	ssyncadd.s32 s5;
	_ =	sdelay $0x1  }
0xa2: {  	s23 =	simm.s32 $0x1B8B  }
0xa3: {  	_ =	swait.ge [sflag:s23], $0x1  }
0xa4: {  	[sflag:s23] =	ssyncset.done $0x0  }
0xa5: {  	s25 =	simm.s32 $0x1B8E;
	s24 =	sld [smem:$0x3FFE];
	[sflag:s23] =	ssyncadd.s32 $0xFFFFFFFF  }
0xa6: {  	s26 =	simm.s32 $execute0_lowered;
	[smem:$0x3FD2] =	sst s25  }
0xa7: {  	s6 =	sshll.u32 s26, $0x1;
	_ =	strace $0x80000046;
	[dreg:$0x1] =	wrdreg $0xFFFFFFFF  }
0xa8: {  	s28 =	simm.s32 $_size_execute0_lowered;
	s4 =	sadd.s32 s4, s6;
	[dreg:$0x0] =	wrdreg $0x0  }
0xa9: {  	s6 =	sshll.u32 s28, $0x1;
	[dreg:$0x2] =	wrdreg s4  }
0xaa: {  	[dreg:$0x3] =	wrdreg s6  }
0xab: {  	[dreg:$0x4] =	wrdreg $0xC0  }
0xac: {  	_ =	task [dreg:s8], $0x5FFFF  }
0xad: {  	[dreg:$0x1] =	wrdreg $0xFFFFFFFF  }
0xae: {  	[dreg:$0x0] =	wrdreg $0x60  }
0xaf: {  	[dreg:$0x2] =	wrdreg s2  }
0xb0: {  	[dreg:$0x3] =	wrdreg s18  }
0xb1: {  	[dreg:$0x4] =	wrdreg s24  }
0xb2: {  	[dreg:$0x5] =	wrdreg $0x0  }
0xb3: {  	[dreg:$0x6] =	wrdreg $0x9  }
0xb4: {  	_ =	task.clear_ibuf [dreg:s8], $0x7FFFF;
	_ =	strace $0x90000046  }
0xb5: {  	s29 =	simm.s32 $0x9;
	_ =	strace $0x80000048  }
0xb6: {  	_ =	swait.ge [sflag:s29], $0x1  }
0xb7: {  	[sflag:s29] =	ssyncadd.s32 $0xFFFFFFFF  }
0xb8: {  	_ =	strace $0x90000048  }
0xb9: {  	_ =	sfence  }
0xba: {  	s30 =	sld [smem:$0x0];
	_ =	sdelay $0x2  }
0xbb: {  	s31 =	sshll.u32 s1, $0xD;
	s1 =	sshrl.u32 s1, $0x2  }
0xbc: {  	s3 =	sand.u32 $0x4000, s31;
	s1 =	sadd.s32 s1, s30  }
0xbd: {  	s0 =	sor.u32 s3, s0;
	s1 =	sshll.u32 s1, $0x11  }
0xbe: {  	s0 =	sor.u32 s1, s0  }
0xbf: {  	s0 =	sadd.s32 $0x8F2B, s0  }
0xc0: {  	[sflag:s0] =	ssyncadd.remote.s32 $0x1  }
0xc1: {  	_ =	sfence.sel $0xFFFF  }
0xc2: {  	[dreg:$0x0] =	wrdreg $0xFFFFFFFF;
	(pc) =	sbr.abs _section_cstart, $3  }
0xc3: {  	[dreg:$0x1] =	wrdreg $0xFFFFFFFF  }
0xc4: {  	_ =	task.clear_ibuf [dreg:s8], $0x2FFFF;
	_ =	strace $0x9FFFFFFF  }
0xc5: {  	(tm) =	ssettm $0x7FFFFFFF  }
tec
execute0_lowered:
.L_overlay_start_1:
0x0: {  	(tag) =	ssettag $0x1  }
0x1: {  	s1 =	rddreg [dreg:$0x0]  }
0x2: {  	s2 =	rddreg [dreg:$0x1]  }
0x3: {  	s3 =	rddreg [dreg:$0x2];
	s0 =	stileid.u32  }
0x4: {  	s5 =	srdreg.scid;
	s4 =	rddreg [dreg:$0x3]  }
0x5: {  	s17 =	simm.s32 $0x3;
	s18 =	simm.s32 $0x14000;
	s6 =	smul.u32 $0x14000, s0  }
0x6: {  	s19 =	simm.s32 $0x14100;
	s28 =	simm.s32 $0x0;
	s11 =	smul.u32 $0x50000, s0  }
0x7: {  	s7 =	sand.u32 $0x1, s5;
	s5 =	simm.s32 $0x0;
	s26 =	smul.u32 $0x2710, s0  }
0x8: {  	s30 =	sshll.u32 s0, $0x6;
	s8 =	smul.u32 $0x140000, s7;
	[smem:$0x7FF] =	sst s5  }
0x9: {  	s21 =	sshll.u32 s7, $0x4;
	s10 =	ssub.s32 $0x2, s7;
	s24 =	smul.u32 $0x27100, s7  }
0xa: {  	_ =	strace $0x80000047;
	s9 =	sshrl.u32 s6, $0x3;
	s22 =	sshrl.u32 s10, $0x1  }
0xb: {  	s23 =	sshrl.u32 s11, $0x2;
	s6 =	sadd.s32 s6, s8;
	s20 =	sadd.s32 s9, s3  }
0xc: {  	s9 =	sor.u32 s0, s21;
	s12 =	ssub.s32 s10, s22;
	s16 =	sadd.s32 s23, s4  }
0xd: {  	s8 =	sor.u32 $0x1C03, s30;
	s13 =	sadd.s32 s26, s24;
	s21 =	simm.s32 $0x14200  }
0xe: {  	s22 =	simm.s32 $0x14080;
	s23 =	simm.s32 $0x14180;
	s24 =	simm.s32 $0x16A00  }
0xf: {  	s26 =	simm.s32 $0x2;
	s6 =	sshrl.u32 s6, $0x3;
	s9 =	smul.u32 $0x2710, s9  }
0x10: {  	s29 =	sadd.s32 $0xA00, s20;
	s11 =	smax.u32 s12, $0x1;
	s12 =	sadd.s32 $0xA0, s13  }
0x11: {  	s31 =	sadd.s32 $0x4E2A0, s13;
	s14 =	sadd.s32 $0x50, s13;
	s13 =	sadd.s32 $0x4E250, s13  }
0x12: {  	s16 =	sshrl.u32 s16, $0x3;
	s20 =	simm.s32 $0x50;
	s3 =	sadd.s32 s6, s3  }
0x13: {  	[dreg:$0x5] =	wrdreg s29;
	s14 =	sshrl.u32 s14, $0x3;
	s15 =	sshrl.u32 s13, $0x3  }
0x14: {  	s25 =	sshrl.u32 s9, $0x3;
	s10 =	sadd.s32 $0x28A00, s3;
	s3 =	sshrl.u32 s31, $0x3  }
0x15: {  	s14 =	sadd.s32 s14, s2;
	s15 =	sadd.s32 s15, s2;
	s7 =	sadd.s32 s2, s25  }
0x16: {  	s13 =	sadd.s32 s3, s2;
	s25 =	simm.s32 $0x1;
	s9 =	sadd.s32 $0x9C40, s7  }
.LBB2_1:
0x17: {  	s0 =	rddreg [dreg:$0x5]  }
0x18: {  	[spmem:s16], [sflag:s8] =	dma.local [hbm:s0], $0x2800  }
0x19: {  	_ =	swait.ge [sflag:s17], $0x2800  }
0x1a: {  	[sflag:s17] =	ssyncset.done $0x0  }
0x1b: {  	[sflag:s17] =	ssyncadd.s32 $0xFFFFD800  }
0x1c: {  	[bflag:$0x0] =	sbarrier.arrive $0xFFFF  }
0x1d: {  	[tilespmem:s18], [sflag:$0x3] =	stream.linear.gather [hbm4b:s7+s5], $0x50, $0x38;
	[tilespmem:$0x19200] =	vst v63  }
0x1e: {  	_ =	swait.ge [sflag:s17], $0x50  }
0x1f: {  	[sflag:s17] =	ssyncset.done $0x0  }
0x20: {  	[sflag:s17] =	ssyncadd.s32 $0xFFFFFFB0  }
0x21: {  	[tilespmem:s19], [sflag:$0x3] =	stream.linear.gather [hbm4b:s9+s5], $0x50, $0x38;
	[tilespmem:$0x19200] =	vst v63  }
0x22: {  	_ =	swait.ge [sflag:s17], $0x50  }
0x23: {  	[sflag:s17] =	ssyncset.done $0x0  }
0x24: {  	[sflag:s17] =	ssyncadd.s32 $0xFFFFFFB0  }
0x25: {  	[tilespmem:s21], [sflag:$0x1] =	stream.indirect.gather [hbm4b:s1+s20], $0x80, s18, s20, $0xb8;
	[tilespmem:$0x19200] =	vst v63  }
0x26: {  	s3 =	sadd.s32 $0x0, s14  }
0x27: {  	[tilespmem:s22], [sflag:$0x3] =	stream.linear.gather [hbm4b:s3+s5], $0x50, $0x38;
	[tilespmem:$0x19200] =	vst v63  }
0x28: {  	_ =	swait.ge [sflag:s17], $0x50  }
0x29: {  	[sflag:s17] =	ssyncset.done $0x0  }
0x2a: {  	s6 =	sadd.s32 $0x0, s15;
	[sflag:s17] =	ssyncadd.s32 $0xFFFFFFB0  }
0x2b: {  	[tilespmem:s23], [sflag:$0x3] =	stream.linear.gather [hbm4b:s6+s5], $0x50, $0x38;
	[tilespmem:$0x19200] =	vst v63  }
0x2c: {  	_ =	swait.ge [sflag:s17], $0x50  }
0x2d: {  	[sflag:s17] =	ssyncset.done $0x0  }
0x2e: {  	[sflag:s17] =	ssyncadd.s32 $0xFFFFFFB0  }
0x2f: {  	[tilespmem:s24], [sflag:$0x2] =	stream.indirect.gather [hbm4b:s1+s20], $0x80, s22, s20, $0xb8;
	[tilespmem:$0x19200] =	vst v63  }
0x30: {  	_ =	swait.ge [sflag:s25], $0x2800  }
0x31: {  	[sflag:s25] =	ssyncset.done $0x0  }
0x32: {  	[sflag:s25] =	ssyncadd.s32 $0xFFFFD800  }
0x33: {  	[spmem:s4] =	stream.indirect.scatter.add.f32 [tilespmem:s21], [sflag:$0x3], $0x80, s19, s20, $0xb8;
	[tilespmem:$0x19200] =	vst v63  }
0x34: {  	_ =	swait.ge [sflag:s17], $0x2800  }
0x35: {  	s0 =	sshrl.u32 s12, $0x3;
	[sflag:s17] =	ssyncset.done $0x0  }
0x36: {  	s3 =	sadd.s32 s2, s0;
	[sflag:s17] =	ssyncadd.s32 $0xFFFFD800  }
0x37: {  	[tilespmem:s18], [sflag:$0x3] =	stream.linear.gather [hbm4b:s3+s5], $0x50, $0x38;
	[tilespmem:$0x19200] =	vst v63  }
0x38: {  	_ =	swait.ge [sflag:s17], $0x50  }
0x39: {  	[sflag:s17] =	ssyncset.done $0x0  }
0x3a: {  	s6 =	sadd.s32 $0x0, s13;
	[sflag:s17] =	ssyncadd.s32 $0xFFFFFFB0  }
0x3b: {  	[tilespmem:s19], [sflag:$0x3] =	stream.linear.gather [hbm4b:s6+s5], $0x50, $0x38;
	[tilespmem:$0x19200] =	vst v63  }
0x3c: {  	_ =	swait.ge [sflag:s17], $0x50  }
0x3d: {  	[sflag:s17] =	ssyncset.done $0x0  }
0x3e: {  	[sflag:s17] =	ssyncadd.s32 $0xFFFFFFB0  }
0x3f: {  	[tilespmem:s21], [sflag:$0x1] =	stream.indirect.gather [hbm4b:s1+s20], $0x80, s18, s20, $0xb8;
	[tilespmem:$0x19200] =	vst v63  }
0x40: {  	_ =	swait.ge [sflag:s26], $0x2800  }
0x41: {  	[sflag:s26] =	ssyncset.done $0x0  }
0x42: {  	[sflag:s26] =	ssyncadd.s32 $0xFFFFD800  }
0x43: {  	[spmem:s4] =	stream.indirect.scatter.add.f32 [tilespmem:s24], [sflag:$0x3], $0x80, s23, s20, $0xb8;
	[tilespmem:$0x19200] =	vst v63  }
0x44: {  	s29 =	simm.s32 $0x14;
	_ =	swait.ge [sflag:s17], $0x2800  }
0x45: {  	s31 =	simm.s32 $0x28;
	s30 =	sadd.s32 $0xA0, s12;
	[sflag:s17] =	ssyncset.done $0x0  }
.LBB2_2:
0x46: {  	s0 =	sadd.s32 s29, s14  }
0x47: {  	[sflag:s17] =	ssyncadd.s32 $0xFFFFD800;
	s6 =	smov.u32 s31;
	s3 =	sadd.s32 $0x14, s31  }
0x48: {  	[tilespmem:s22], [sflag:$0x3] =	stream.linear.gather [hbm4b:s0+s5], $0x50, $0x38;
	[tilespmem:$0x19200] =	vst v63  }
0x49: {  	p0 =	sne.s32 s31, $0x4C4;
	_ =	swait.ge [sflag:s17], $0x50  }
0x4a: {  	[sflag:s17] =	ssyncset.done $0x0  }
0x4b: {  	s0 =	sadd.s32 s29, s15;
	[sflag:s17] =	ssyncadd.s32 $0xFFFFFFB0  }
0x4c: {  	[tilespmem:s23], [sflag:$0x3] =	stream.linear.gather [hbm4b:s0+s5], $0x50, $0x38;
	[tilespmem:$0x19200] =	vst v63  }
0x4d: {  	_ =	swait.ge [sflag:s17], $0x50  }
0x4e: {  	[sflag:s17] =	ssyncset.done $0x0  }
0x4f: {  	[sflag:s17] =	ssyncadd.s32 $0xFFFFFFB0  }
0x50: {  	[tilespmem:s24], [sflag:$0x2] =	stream.indirect.gather [hbm4b:s1+s20], $0x80, s22, s20, $0xb8;
	[tilespmem:$0x19200] =	vst v63  }
0x51: {  	_ =	swait.ge [sflag:s25], $0x2800  }
0x52: {  	[sflag:s25] =	ssyncset.done $0x0  }
0x53: {  	[sflag:s25] =	ssyncadd.s32 $0xFFFFD800  }
0x54: {  	[spmem:s4] =	stream.indirect.scatter.add.f32 [tilespmem:s21], [sflag:$0x3], $0x80, s19, s20, $0xb8;
	[tilespmem:$0x19200] =	vst v63  }
0x55: {  	_ =	swait.ge [sflag:s17], $0x2800  }
0x56: {  	s0 =	sshrl.u32 s30, $0x3;
	[sflag:s17] =	ssyncset.done $0x0  }
0x57: {  	s0 =	sadd.s32 s2, s0;
	[sflag:s17] =	ssyncadd.s32 $0xFFFFD800  }
0x58: {  	[tilespmem:s18], [sflag:$0x3] =	stream.linear.gather [hbm4b:s0+s5], $0x50, $0x38;
	[tilespmem:$0x19200] =	vst v63  }
0x59: {  	_ =	swait.ge [sflag:s17], $0x50  }
0x5a: {  	[sflag:s17] =	ssyncset.done $0x0  }
0x5b: {  	s0 =	sadd.s32 s29, s13;
	s29 =	smov.u32 s6;
	[sflag:s17] =	ssyncadd.s32 $0xFFFFFFB0  }
0x5c: {  	[tilespmem:s19], [sflag:$0x3] =	stream.linear.gather [hbm4b:s0+s5], $0x50, $0x38;
	[tilespmem:$0x19200] =	vst v63  }
0x5d: {  	_ =	swait.ge [sflag:s17], $0x50  }
0x5e: {  	[sflag:s17] =	ssyncset.done $0x0  }
0x5f: {  	[sflag:s17] =	ssyncadd.s32 $0xFFFFFFB0  }
0x60: {  	[tilespmem:s21], [sflag:$0x1] =	stream.indirect.gather [hbm4b:s1+s20], $0x80, s18, s20, $0xb8;
	[tilespmem:$0x19200] =	vst v63  }
0x61: {  	_ =	swait.ge [sflag:s26], $0x2800  }
.Ltmp0:
0x62: {  	[sflag:s26] =	ssyncset.done $0x0;
	(pc) =	sbr.rel @p0 .LBB2_2-.Ltmp0, $4  }
0x63: {  	[sflag:s26] =	ssyncadd.s32 $0xFFFFD800  }
0x64: {  	[spmem:s4] =	stream.indirect.scatter.add.f32 [tilespmem:s24], [sflag:$0x3], $0x80, s23, s20, $0xb8;
	[tilespmem:$0x19200] =	vst v63  }
0x65: {  	_ =	swait.ge [sflag:s17], $0x2800  }
0x66: {  	s31 =	smov.u32 s3;
	s30 =	sadd.s32 $0xA0, s30;
	[sflag:s17] =	ssyncset.done $0x0  }
0x67: {  	s0 =	sadd.s32 s29, s14;
	[sflag:s17] =	ssyncadd.s32 $0xFFFFD800  }
0x68: {  	[tilespmem:s22], [sflag:$0x3] =	stream.linear.gather [hbm4b:s0+s5], $0x50, $0x38;
	[tilespmem:$0x19200] =	vst v63  }
0x69: {  	_ =	swait.ge [sflag:s17], $0x50  }
0x6a: {  	[sflag:s17] =	ssyncset.done $0x0  }
0x6b: {  	s6 =	sadd.s32 s29, s15;
	[sflag:s17] =	ssyncadd.s32 $0xFFFFFFB0  }
0x6c: {  	[tilespmem:s23], [sflag:$0x3] =	stream.linear.gather [hbm4b:s6+s5], $0x50, $0x38;
	[tilespmem:$0x19200] =	vst v63  }
0x6d: {  	_ =	swait.ge [sflag:s17], $0x50  }
0x6e: {  	[sflag:s17] =	ssyncset.done $0x0  }
0x6f: {  	[sflag:s17] =	ssyncadd.s32 $0xFFFFFFB0  }
0x70: {  	[tilespmem:s24], [sflag:$0x2] =	stream.indirect.gather [hbm4b:s1+s20], $0x80, s22, s20, $0xb8;
	[tilespmem:$0x19200] =	vst v63  }
0x71: {  	_ =	swait.ge [sflag:s25], $0x2800  }
0x72: {  	[sflag:s25] =	ssyncset.done $0x0  }
0x73: {  	[sflag:s25] =	ssyncadd.s32 $0xFFFFD800  }
0x74: {  	[spmem:s4] =	stream.indirect.scatter.add.f32 [tilespmem:s21], [sflag:$0x3], $0x80, s19, s20, $0xb8;
	[tilespmem:$0x19200] =	vst v63  }
0x75: {  	_ =	swait.ge [sflag:s17], $0x2800  }
0x76: {  	s30 =	sshrl.u32 s30, $0x3;
	[sflag:s17] =	ssyncset.done $0x0  }
0x77: {  	s0 =	sadd.s32 s2, s30;
	[sflag:s17] =	ssyncadd.s32 $0xFFFFD800  }
0x78: {  	[tilespmem:s18], [sflag:$0x3] =	stream.linear.gather [hbm4b:s0+s5], $0x50, $0x38;
	[tilespmem:$0x19200] =	vst v63  }
0x79: {  	_ =	swait.ge [sflag:s17], $0x50  }
0x7a: {  	[sflag:s17] =	ssyncset.done $0x0  }
0x7b: {  	s31 =	sadd.s32 s29, s13;
	[sflag:s17] =	ssyncadd.s32 $0xFFFFFFB0  }
0x7c: {  	[tilespmem:s19], [sflag:$0x3] =	stream.linear.gather [hbm4b:s31+s5], $0x50, $0x38;
	[tilespmem:$0x19200] =	vst v63  }
0x7d: {  	_ =	swait.ge [sflag:s17], $0x50  }
0x7e: {  	[sflag:s17] =	ssyncset.done $0x0  }
0x7f: {  	[sflag:s17] =	ssyncadd.s32 $0xFFFFFFB0  }
0x80: {  	[tilespmem:s21], [sflag:$0x1] =	stream.indirect.gather [hbm4b:s1+s20], $0x80, s18, s20, $0xb8;
	[tilespmem:$0x19200] =	vst v63  }
0x81: {  	_ =	swait.ge [sflag:s26], $0x2800  }
0x82: {  	[sflag:s26] =	ssyncset.done $0x0  }
0x83: {  	[sflag:s26] =	ssyncadd.s32 $0xFFFFD800  }
0x84: {  	[spmem:s4] =	stream.indirect.scatter.add.f32 [tilespmem:s24], [sflag:$0x3], $0x80, s23, s20, $0xb8;
	[tilespmem:$0x19200] =	vst v63  }
0x85: {  	_ =	swait.ge [sflag:s17], $0x2800  }
0x86: {  	[sflag:s17] =	ssyncset.done $0x0  }
0x87: {  	[sflag:s17] =	ssyncadd.s32 $0xFFFFD800  }
0x88: {  	_ =	swait.ge [sflag:s25], $0x2800  }
0x89: {  	[sflag:s25] =	ssyncset.done $0x0  }
0x8a: {  	[sflag:s25] =	ssyncadd.s32 $0xFFFFD800  }
0x8b: {  	[spmem:s4] =	stream.indirect.scatter.add.f32 [tilespmem:s21], [sflag:$0x3], $0x80, s19, s20, $0xb8;
	[tilespmem:$0x19200] =	vst v63  }
0x8c: {  	_ =	swait.ge [sflag:s17], $0x2800  }
0x8d: {  	s28 =	sadd.s32 $0x1, s28;
	[sflag:s17] =	ssyncset.done $0x0  }
0x8e: {  	p0 =	sne.s32 s28, s11;
	[sflag:s17] =	ssyncadd.s32 $0xFFFFD800  }
.Ltmp1:
0x8f: {  	[bflag:$0x0] =	sbarrier.arrive $0xFFFF;
	(pc) =	sbr.rel @p0 .LBB2_1-.Ltmp1, $4  }
0x90: {  	[hbm:s10], [sflag:s8] =	dma.local [spmem:s16], $0x2800  }
0x91: {  	_ =	swait.ge [sflag:s17], $0x2800  }
0x92: {  	[sflag:s17] =	ssyncset.done $0x0  }
0x93: {  	[sflag:s17] =	ssyncadd.s32 $0xFFFFD800  }
0x94: {  	_ =	sfence.sel $0x180000  }
0x95: {  	[bflag:$0x0] =	sbarrier.arrive $0xFFFF  }
0x96: {  	_ =	strace $0x90000047  }
0x97: {  	s0 =	stileid.u32;
	[bflag:$0x2] =	sbarrier.arrive $0xFFFF  }
0x98: {  	p0 =	sne.s32 s0, $0x0;
	s0 =	rddreg [dreg:$0x4]  }
0x99: {  	s0 =	sadd.s32 @!p0 $0x100000, s0  }
0x9a: {  	[sflag:s0] =	ssyncadd.tile.s32 @!p0 $0x1;
	_ =	shalt  }
.Lfunc_end2:
_tile_overlayer_lowered:
.L_overlay_start_2:
0x9b: {  	(tag) =	ssettag $0x2  }
0x9c: {  	s0 =	rddreg [dreg:$0x0];
	s2 =	stileid.u32  }
0x9d: {  	s1 =	rddreg [dreg:$0x1];
	p0 =	sne.s32 s2, $0x0  }
0x9e: {  	s3 =	rddreg [dreg:$0x2];
	[bflag:$0x3] =	sbarrier.arrive $0xFFFF;
	s2 =	simm.s32 @!p0 $0x1C03  }
0x9f: {  	[timem:s3], [sflag:s2] =	dma.local @!p0 [hbm:s0], s1  }
0xa0: {  	s0 =	simm.s32 @!p0 $0x3  }
0xa1: {  	_ =	swait.ge @!p0 [sflag:s0], s1  }
0xa2: {  	s1 =	ssub.s32 @!p0 $0x0, s1;
	[sflag:s0] =	ssyncset.done @!p0 $0x0  }
0xa3: {  	[sflag:s0] =	ssyncadd.s32 @!p0 s1  }
0xa4: {  	[bflag:$0x3] =	sbarrier.arrive $0xFFFF  }
0xa5: {  	_ =	shalt  }

</sc_bundles>
